<compile_context>
chip_gen: v7x
topology: tpu7x:2x2x1
jax: 0.10.2.dev20260603
libtpu: 0.0.44.dev20260713+nightly
codegen_flags: <defaults>
</compile_context>

<pallas_src>
import numpy as np
import jax
import jax.numpy as jnp
from jax import lax
from jax.experimental import pallas as pl
from jax.experimental.pallas import tpu as pltpu

_NPOS, _NPD1, _NPD2, _NCT, _NCF = 15, 21, 11, 9, 10
_SEG = ((0, 15), (15, 36), (36, 47), (47, 56), (56, 66), (66, 68))
_KANA_OFF = 66
_NROWS = 68
_RPAD = 128
_IN_DIM = 176
_HID = 512

_lane = np.arange(_RPAD)
_SEL = np.stack([((_lane >= a) & (_lane < b)) for a, b in _SEG]
                ).astype(np.float32)
_MAXOFF = np.array(
    [[_NPOS - 1, _NPD1 - 1, _NPD2 - 1, _NCT - 1, _NCF - 1, 0, 0, 0],
     [0, 15, 36, 47, 56, 0, 0, 0]], dtype=np.int32)


def _nt(a, b):
    return lax.dot_general(a, b, (((1,), (1,)), ((), ())),
                           preferred_element_type=jnp.float32)


def _prep_body(pos_ref, pd1_ref, pd2_ref, ct_ref, cf_ref, kana_ref,
               kpw_ref, kpb_ref, cpw_ref, cpb_ref, lng_ref, lnb_ref,
               pw_ref, pb_ref,
               t_ref, sq_ref, wgc_ref, cpw11_ref, cpb_o, wsum_ref, bias_ref,
               e_scr):
    Wg = pw_ref[...] * lng_ref[...].reshape(1, _IN_DIM)
    ekana1 = _nt(kana_ref[1:2, :], kpw_ref[...]) + kpb_ref[...].reshape(1, 32)
    ekana0 = kpb_ref[...].reshape(1, 32)
    e_scr[...] = jnp.zeros((_NROWS, _IN_DIM), dtype=jnp.float32)
    e_scr[0:15, 0:32] = pos_ref[...]
    e_scr[15:36, 32:64] = pd1_ref[...]
    e_scr[36:47, 64:80] = pd2_ref[...]
    e_scr[47:56, 80:96] = ct_ref[...]
    e_scr[56:66, 96:112] = cf_ref[...]
    e_scr[66:67, 112:144] = ekana0
    e_scr[67:68, 112:144] = ekana1
    E = e_scr[...]
    t_ref[...] = jnp.zeros((_RPAD, _HID), dtype=jnp.float32)
    t_ref[0:_NROWS, :] = _nt(E, Wg)
    s = jnp.sum(E, axis=1, keepdims=True)
    q = jnp.sum(E * E, axis=1, keepdims=True)
    sq_ref[...] = jnp.zeros((_RPAD, 8), dtype=jnp.float32)
    sq_ref[0:_NROWS, 0:1] = s
    sq_ref[0:_NROWS, 1:2] = q
    wgc_ref[...] = Wg[:, 144:176]
    cpw11_ref[...] = jnp.zeros((32, 11), dtype=jnp.float32)
    cpw11_ref[:, 5:11] = cpw_ref[...]
    cpb_o[...] = cpb_ref[...].reshape(1, 32)
    ones = jnp.ones((1, _IN_DIM), dtype=jnp.float32)
    wsum_ref[...] = _nt(ones, Wg)
    bias_ref[...] = (_nt(lnb_ref[...].reshape(1, _IN_DIM), pw_ref[...])
                     + pb_ref[...].reshape(1, _HID))


def _body(x_ref, rid_ref, mo_ref, sel_ref, t_ref, sq_ref, wgc_ref,
          cpw11_ref, cpb_ref, wsum_ref, bias_ref, out_ref):
    bb = x_ref.shape[0]
    xb = x_ref[...].reshape(bb * 50, 11)
    rid = rid_ref[...].reshape(bb * 50, 8)
    bm = xb.shape[0]
    cat = xb[:, 0:5].astype(jnp.int32)

    maxv = mo_ref[0:1, 0:5]
    offs = mo_ref[1:2, 0:5]
    flat = jnp.clip(cat, 0, maxv) + offs

    kmax = jnp.max(rid, axis=1, keepdims=True)
    kana_row = _KANA_OFF + (kmax >= 1).astype(jnp.int32)
    flat6 = jnp.concatenate([flat, kana_row], axis=1).astype(jnp.float32)

    spread = jnp.dot(flat6, sel_ref[...], preferred_element_type=jnp.float32)
    iota = lax.broadcasted_iota(jnp.int32, (bm, _RPAD), 1).astype(jnp.float32)
    f = (spread == iota).astype(jnp.float32)

    e_cont = _nt(xb, cpw11_ref[...]) + cpb_ref[...]
    s_cont = jnp.sum(e_cont, axis=1, keepdims=True)
    q_cont = jnp.sum(e_cont * e_cont, axis=1, keepdims=True)

    fs = jnp.dot(f, sq_ref[...], preferred_element_type=jnp.float32)
    s1 = fs[:, 0:1] + s_cont
    s2 = fs[:, 1:2] + q_cont
    mu = s1 * (1.0 / _IN_DIM)
    var = s2 * (1.0 / _IN_DIM) - mu * mu
    rstd = lax.rsqrt(var + 1e-5)

    acc = jnp.dot(f, t_ref[...], preferred_element_type=jnp.float32)
    acc = acc + _nt(e_cont, wgc_ref[...])
    out_ref[...] = (acc - mu * wsum_ref[...]) * rstd + bias_ref[...]


def kernel(x, reading_ids, pos_emb, pd1_emb, pd2_emb, ct_emb, cf_emb,
           kana_emb, kana_proj_w, kana_proj_b, cont_proj_w, cont_proj_b,
           ln_g, ln_b, proj_w, proj_b):
    B, S, _ = x.shape

    full = lambda *shape: pl.BlockSpec(shape, lambda: tuple(0 for _ in shape))
    T, sq, wgc, cpw11, cpb_r, wsumg, bias = pl.pallas_call(
        _prep_body,
        in_specs=[full(15, 32), full(21, 32), full(11, 16), full(9, 16),
                  full(10, 16), full(2, 32), full(32, 32), full(32,),
                  full(32, 6), full(32,), full(176,), full(176,),
                  full(512, 176), full(512,)],
        out_specs=[full(_RPAD, _HID), full(_RPAD, 8), full(_HID, 32),
                   full(32, 11), full(1, 32), full(1, _HID), full(1, _HID)],
        out_shape=[
            jax.ShapeDtypeStruct((_RPAD, _HID), jnp.float32),
            jax.ShapeDtypeStruct((_RPAD, 8), jnp.float32),
            jax.ShapeDtypeStruct((_HID, 32), jnp.float32),
            jax.ShapeDtypeStruct((32, 11), jnp.float32),
            jax.ShapeDtypeStruct((1, 32), jnp.float32),
            jax.ShapeDtypeStruct((1, _HID), jnp.float32),
            jax.ShapeDtypeStruct((1, _HID), jnp.float32),
        ],
        scratch_shapes=[pltpu.VMEM((_NROWS, _IN_DIM), jnp.float32)],
    )(pos_emb, pd1_emb, pd2_emb, ct_emb, cf_emb, kana_emb, kana_proj_w,
      kana_proj_b, cont_proj_w, cont_proj_b, ln_g, ln_b, proj_w, proj_b)

    bb = 16
    grid = (B // bb,)
    out = pl.pallas_call(
        _body,
        grid=grid,
        in_specs=[
            pl.BlockSpec((bb, S, 11), lambda i: (i, 0, 0)),
            pl.BlockSpec((bb, S, 8), lambda i: (i, 0, 0)),
            pl.BlockSpec((2, 8), lambda i: (0, 0)),
            pl.BlockSpec((6, _RPAD), lambda i: (0, 0)),
            pl.BlockSpec((_RPAD, _HID), lambda i: (0, 0)),
            pl.BlockSpec((_RPAD, 8), lambda i: (0, 0)),
            pl.BlockSpec((_HID, 32), lambda i: (0, 0)),
            pl.BlockSpec((32, 11), lambda i: (0, 0)),
            pl.BlockSpec((1, 32), lambda i: (0, 0)),
            pl.BlockSpec((1, _HID), lambda i: (0, 0)),
            pl.BlockSpec((1, _HID), lambda i: (0, 0)),
        ],
        out_specs=pl.BlockSpec((bb * S, _HID), lambda i: (i, 0)),
        out_shape=jax.ShapeDtypeStruct((B * S, _HID), jnp.float32),
    )(x, reading_ids, jnp.asarray(_MAXOFF), jnp.asarray(_SEL), T, sq,
      wgc, cpw11, cpb_r, wsumg, bias)
    return out.reshape(B, S, _HID)

# --- scband reference (transcript-rebuilt; emitter-appended) ---
"""Pipeline reference for scband-embedding-frontend-4312147165409 (READ-ONLY COPY).

The authoritative reference and input builder live on the scoring server;
editing this copy changes nothing except your own understanding.
"""

import jax, jax.numpy as jnp
import numpy as np

NUM_POS = 15
NUM_PD1 = 21
NUM_PD2 = 11
NUM_CT = 9
NUM_CF = 10
NUM_KANA = 2
EMBED_DIM = 128
HIDDEN_DIM = 512
D4 = EMBED_DIM // 4  # 32
D8 = EMBED_DIM // 8  # 16
INPUT_DIM = D4 + D4 + D8 + D8 + D8 + D4 + D4  # 176
B, S, K = 1024, 50, 8


def setup_inputs(seed: int = 0) -> dict:
    key = jax.random.key(seed)
    ks = jax.random.split(key, 16)
    x = jax.random.normal(ks[0], (B, S, 11), dtype=jnp.float32)
    reading_ids = jax.random.randint(ks[1], (B, S, K), 0, 2, dtype=jnp.int32)
    pos_emb = jax.random.normal(ks[2], (NUM_POS, D4), dtype=jnp.float32) * 0.05
    pd1_emb = jax.random.normal(ks[3], (NUM_PD1, D4), dtype=jnp.float32) * 0.05
    pd2_emb = jax.random.normal(ks[4], (NUM_PD2, D8), dtype=jnp.float32) * 0.05
    ct_emb = jax.random.normal(ks[5], (NUM_CT, D8), dtype=jnp.float32) * 0.05
    cf_emb = jax.random.normal(ks[6], (NUM_CF, D8), dtype=jnp.float32) * 0.05
    kana_emb = (jax.random.normal(ks[7], (NUM_KANA, D4), dtype=jnp.float32) * 0.05).at[0].set(0.0)  # padding_idx=0
    kana_proj_w = jax.random.normal(ks[8], (D4, D4), dtype=jnp.float32) * 0.05
    kana_proj_b = jax.random.normal(ks[9], (D4,), dtype=jnp.float32) * 0.05
    cont_proj_w = jax.random.normal(ks[10], (D4, 6), dtype=jnp.float32) * 0.05
    cont_proj_b = jax.random.normal(ks[11], (D4,), dtype=jnp.float32) * 0.05
    ln_g = jnp.ones((INPUT_DIM,), dtype=jnp.float32)
    ln_b = jnp.zeros((INPUT_DIM,), dtype=jnp.float32)
    proj_w = jax.random.normal(ks[12], (HIDDEN_DIM, INPUT_DIM), dtype=jnp.float32) * 0.05
    proj_b = jax.random.normal(ks[13], (HIDDEN_DIM,), dtype=jnp.float32) * 0.05
    return {
        "x": x, "reading_ids": reading_ids,
        "pos_emb": pos_emb, "pd1_emb": pd1_emb, "pd2_emb": pd2_emb,
        "ct_emb": ct_emb, "cf_emb": cf_emb, "kana_emb": kana_emb,
        "kana_proj_w": kana_proj_w, "kana_proj_b": kana_proj_b,
        "cont_proj_w": cont_proj_w, "cont_proj_b": cont_proj_b,
        "ln_g": ln_g, "ln_b": ln_b, "proj_w": proj_w, "proj_b": proj_b,
    }


def reference(x, reading_ids, pos_emb, pd1_emb, pd2_emb, ct_emb, cf_emb, kana_emb,
              kana_proj_w, kana_proj_b, cont_proj_w, cont_proj_b, ln_g, ln_b, proj_w, proj_b):
    cat_feats = x[:, :, :5].astype(jnp.int32)
    cont_feats = x[:, :, 5:]
    pos_ids = jnp.clip(cat_feats[:, :, 0], 0, NUM_POS - 1)
    pd1_ids = jnp.clip(cat_feats[:, :, 1], 0, NUM_PD1 - 1)
    pd2_ids = jnp.clip(cat_feats[:, :, 2], 0, NUM_PD2 - 1)
    ct_ids = jnp.clip(cat_feats[:, :, 3], 0, NUM_CT - 1)
    cf_ids = jnp.clip(cat_feats[:, :, 4], 0, NUM_CF - 1)
    e_pos = jnp.take(pos_emb, pos_ids, axis=0)
    e_pd1 = jnp.take(pd1_emb, pd1_ids, axis=0)
    e_pd2 = jnp.take(pd2_emb, pd2_ids, axis=0)
    e_ct = jnp.take(ct_emb, ct_ids, axis=0)
    e_cf = jnp.take(cf_emb, cf_ids, axis=0)
    rid = jnp.clip(reading_ids, 0, NUM_KANA - 1)
    kana_embs = jnp.take(kana_emb, rid, axis=0)  # [B,S,K,D4]
    kana_mask = (rid > 0).astype(jnp.float32)[..., None]
    kana_sum = (kana_embs * kana_mask).sum(axis=2)
    kana_count = jnp.clip(kana_mask.sum(axis=2), 1.0, None)
    kana_pooled = kana_sum / kana_count
    e_kana = jnp.dot(kana_pooled, kana_proj_w.T) + kana_proj_b
    e_cont = jnp.dot(cont_feats, cont_proj_w.T) + cont_proj_b
    h = jnp.concatenate([e_pos, e_pd1, e_pd2, e_ct, e_cf, e_kana, e_cont], axis=-1)
    mu = h.mean(axis=-1, keepdims=True)
    var = ((h - mu) ** 2).mean(axis=-1, keepdims=True)
    h = (h - mu) / jnp.sqrt(var + 1e-5) * ln_g + ln_b
    return jnp.dot(h, proj_w.T) + proj_b

if __name__ == "__main__":
    import jax
    _d = setup_inputs()
    print(jax.jit(kernel)(*tuple(_d.values())))

</pallas_src>

<mosaic_0001>
module attributes {stable_mosaic.version = 14 : i64} {
  func.func @_prep_body(%arg0: memref<15x32xf32, #tpu.memory_space<vmem>>, %arg1: memref<21x32xf32, #tpu.memory_space<vmem>>, %arg2: memref<11x16xf32, #tpu.memory_space<vmem>>, %arg3: memref<9x16xf32, #tpu.memory_space<vmem>>, %arg4: memref<10x16xf32, #tpu.memory_space<vmem>>, %arg5: memref<2x32xf32, #tpu.memory_space<vmem>>, %arg6: memref<32x32xf32, #tpu.memory_space<vmem>>, %arg7: memref<32xf32, #tpu.memory_space<vmem>>, %arg8: memref<32x6xf32, #tpu.memory_space<vmem>>, %arg9: memref<32xf32, #tpu.memory_space<vmem>>, %arg10: memref<176xf32, #tpu.memory_space<vmem>>, %arg11: memref<176xf32, #tpu.memory_space<vmem>>, %arg12: memref<512x176xf32, #tpu.memory_space<vmem>>, %arg13: memref<512xf32, #tpu.memory_space<vmem>>, %arg14: memref<128x512xf32, #tpu.memory_space<vmem>>, %arg15: memref<128x8xf32, #tpu.memory_space<vmem>>, %arg16: memref<512x32xf32, #tpu.memory_space<vmem>>, %arg17: memref<32x11xf32, #tpu.memory_space<vmem>>, %arg18: memref<1x32xf32, #tpu.memory_space<vmem>>, %arg19: memref<1x512xf32, #tpu.memory_space<vmem>>, %arg20: memref<1x512xf32, #tpu.memory_space<vmem>>, %arg21: memref<68x176xf32, #tpu.memory_space<vmem>>) attributes {dimension_semantics = [], scalar_prefetch = 0 : i64, scratch_operands = 1 : i64, tpu.core_type = #tpu.core_type<tc>} {
    %get3A = arith.constant 0 : index
    %get3A_0 = arith.constant 0 : index
    %get3A_1 = vector.load %arg12[%get3A, %get3A_0] : memref<512x176xf32, #tpu.memory_space<vmem>>, vector<512x176xf32>
    %get3A_2 = arith.constant 0 : index
    %get3A_3 = vector.load %arg10[%get3A_2] : memref<176xf32, #tpu.memory_space<vmem>>, vector<176xf32>
    %reshape3A = vector.shape_cast %get3A_3 : vector<176xf32> to vector<1x176xf32>
    %mul3A = vector.broadcast %reshape3A : vector<1x176xf32> to vector<512x176xf32>
    %mul3A_4 = arith.mulf %get3A_1, %mul3A : vector<512x176xf32>
    %get3A_5 = arith.constant 1 : index
    %get3A_6 = arith.constant 0 : index
    %get3A_7 = vector.load %arg5[%get3A_5, %get3A_6] : memref<2x32xf32, #tpu.memory_space<vmem>>, vector<1x32xf32>
    %get3A_8 = arith.constant 0 : index
    %get3A_9 = arith.constant 0 : index
    %get3A_10 = vector.load %arg6[%get3A_8, %get3A_9] : memref<32x32xf32, #tpu.memory_space<vmem>>, vector<32x32xf32>
    %dot_general3A = arith.constant dense<0.000000e+00> : vector<1x32xf32>
    %dot_general3A_11 = tpu.matmul %get3A_7, %get3A_10, %dot_general3A {dimension_numbers = #tpu.dot_dimension_numbers<[1], [1], [0], [0], [0, 0, 1, 0], [], []>, transpose_lhs_hint = false} : vector<1x32xf32>, vector<32x32xf32>, vector<1x32xf32> -> vector<1x32xf32>
    %get3A_12 = arith.constant 0 : index
    %get3A_13 = vector.load %arg7[%get3A_12] : memref<32xf32, #tpu.memory_space<vmem>>, vector<32xf32>
    %reshape3A_14 = vector.shape_cast %get3A_13 : vector<32xf32> to vector<1x32xf32>
    %add3A = arith.addf %dot_general3A_11, %reshape3A_14 : vector<1x32xf32>
    %get3A_15 = arith.constant 0 : index
    %get3A_16 = vector.load %arg7[%get3A_15] : memref<32xf32, #tpu.memory_space<vmem>>, vector<32xf32>
    %reshape3A_17 = vector.shape_cast %get3A_16 : vector<32xf32> to vector<1x32xf32>
    %broadcast_in_dim3A = arith.constant 0.000000e+00 : f32
    %broadcast_in_dim3A_18 = vector.broadcast %broadcast_in_dim3A : f32 to vector<68x176xf32>
    %swap3A = arith.constant 0 : index
    %swap3A_19 = arith.constant 0 : index
    %swap3A_20 = vector.load %arg21[%swap3A, %swap3A_19] : memref<68x176xf32, #tpu.memory_space<vmem>>, vector<68x176xf32>
    tpu.vector_store %arg21[%swap3A, %swap3A_19], %broadcast_in_dim3A_18 {strides = array<i32>} : memref<68x176xf32, #tpu.memory_space<vmem>>, vector<68x176xf32>,
    %get3A_21 = arith.constant 0 : index
    %get3A_22 = arith.constant 0 : index
    %get3A_23 = vector.load %arg0[%get3A_21, %get3A_22] : memref<15x32xf32, #tpu.memory_space<vmem>>, vector<15x32xf32>
    %swap3A_24 = arith.constant 0 : index
    %swap3A_25 = arith.constant 0 : index
    %swap3A_26 = vector.load %arg21[%swap3A_24, %swap3A_25] : memref<68x176xf32, #tpu.memory_space<vmem>>, vector<15x32xf32>
    tpu.vector_store %arg21[%swap3A_24, %swap3A_25], %get3A_23 {strides = array<i32>} : memref<68x176xf32, #tpu.memory_space<vmem>>, vector<15x32xf32>,
    %get3A_27 = arith.constant 0 : index
    %get3A_28 = arith.constant 0 : index
    %get3A_29 = vector.load %arg1[%get3A_27, %get3A_28] : memref<21x32xf32, #tpu.memory_space<vmem>>, vector<21x32xf32>
    %swap3A_30 = arith.constant 15 : index
    %swap3A_31 = arith.constant 32 : index
    %swap3A_32 = vector.load %arg21[%swap3A_30, %swap3A_31] : memref<68x176xf32, #tpu.memory_space<vmem>>, vector<21x32xf32>
    tpu.vector_store %arg21[%swap3A_30, %swap3A_31], %get3A_29 {strides = array<i32>} : memref<68x176xf32, #tpu.memory_space<vmem>>, vector<21x32xf32>,
    %get3A_33 = arith.constant 0 : index
    %get3A_34 = arith.constant 0 : index
    %get3A_35 = vector.load %arg2[%get3A_33, %get3A_34] : memref<11x16xf32, #tpu.memory_space<vmem>>, vector<11x16xf32>
    %swap3A_36 = arith.constant 36 : index
    %swap3A_37 = arith.constant 64 : index
    %swap3A_38 = vector.load %arg21[%swap3A_36, %swap3A_37] : memref<68x176xf32, #tpu.memory_space<vmem>>, vector<11x16xf32>
    tpu.vector_store %arg21[%swap3A_36, %swap3A_37], %get3A_35 {strides = array<i32>} : memref<68x176xf32, #tpu.memory_space<vmem>>, vector<11x16xf32>,
    %get3A_39 = arith.constant 0 : index
    %get3A_40 = arith.constant 0 : index
    %get3A_41 = vector.load %arg3[%get3A_39, %get3A_40] : memref<9x16xf32, #tpu.memory_space<vmem>>, vector<9x16xf32>
    %swap3A_42 = arith.constant 47 : index
    %swap3A_43 = arith.constant 80 : index
    %swap3A_44 = vector.load %arg21[%swap3A_42, %swap3A_43] : memref<68x176xf32, #tpu.memory_space<vmem>>, vector<9x16xf32>
    tpu.vector_store %arg21[%swap3A_42, %swap3A_43], %get3A_41 {strides = array<i32>} : memref<68x176xf32, #tpu.memory_space<vmem>>, vector<9x16xf32>,
    %get3A_45 = arith.constant 0 : index
    %get3A_46 = arith.constant 0 : index
    %get3A_47 = vector.load %arg4[%get3A_45, %get3A_46] : memref<10x16xf32, #tpu.memory_space<vmem>>, vector<10x16xf32>
    %swap3A_48 = arith.constant 56 : index
    %swap3A_49 = arith.constant 96 : index
    %swap3A_50 = vector.load %arg21[%swap3A_48, %swap3A_49] : memref<68x176xf32, #tpu.memory_space<vmem>>, vector<10x16xf32>
    tpu.vector_store %arg21[%swap3A_48, %swap3A_49], %get3A_47 {strides = array<i32>} : memref<68x176xf32, #tpu.memory_space<vmem>>, vector<10x16xf32>,
    %swap3A_51 = arith.constant 66 : index
    %swap3A_52 = arith.constant 112 : index
    %swap3A_53 = vector.load %arg21[%swap3A_51, %swap3A_52] : memref<68x176xf32, #tpu.memory_space<vmem>>, vector<1x32xf32>
    tpu.vector_store %arg21[%swap3A_51, %swap3A_52], %reshape3A_17 {strides = array<i32>} : memref<68x176xf32, #tpu.memory_space<vmem>>, vector<1x32xf32>,
    %swap3A_54 = arith.constant 67 : index
    %swap3A_55 = arith.constant 112 : index
    %swap3A_56 = vector.load %arg21[%swap3A_54, %swap3A_55] : memref<68x176xf32, #tpu.memory_space<vmem>>, vector<1x32xf32>
    tpu.vector_store %arg21[%swap3A_54, %swap3A_55], %add3A {strides = array<i32>} : memref<68x176xf32, #tpu.memory_space<vmem>>, vector<1x32xf32>,
    %get3A_57 = arith.constant 0 : index
    %get3A_58 = arith.constant 0 : index
    %get3A_59 = vector.load %arg21[%get3A_57, %get3A_58] : memref<68x176xf32, #tpu.memory_space<vmem>>, vector<68x176xf32>
    %broadcast_in_dim3A_60 = arith.constant 0.000000e+00 : f32
    %broadcast_in_dim3A_61 = vector.broadcast %broadcast_in_dim3A_60 : f32 to vector<128x512xf32>
    %swap3A_62 = arith.constant 0 : index
    %swap3A_63 = arith.constant 0 : index
    %swap3A_64 = vector.load %arg14[%swap3A_62, %swap3A_63] : memref<128x512xf32, #tpu.memory_space<vmem>>, vector<128x512xf32>
    tpu.vector_store %arg14[%swap3A_62, %swap3A_63], %broadcast_in_dim3A_61 {strides = array<i32>} : memref<128x512xf32, #tpu.memory_space<vmem>>, vector<128x512xf32>,
    %dot_general3A_65 = arith.constant dense<0.000000e+00> : vector<68x512xf32>
    %dot_general3A_66 = tpu.matmul %get3A_59, %mul3A_4, %dot_general3A_65 {dimension_numbers = #tpu.dot_dimension_numbers<[1], [1], [0], [0], [0, 0, 1, 0], [], []>, transpose_lhs_hint = false} : vector<68x176xf32>, vector<512x176xf32>, vector<68x512xf32> -> vector<68x512xf32>
    %swap3A_67 = arith.constant 0 : index
    %swap3A_68 = arith.constant 0 : index
    %swap3A_69 = vector.load %arg14[%swap3A_67, %swap3A_68] : memref<128x512xf32, #tpu.memory_space<vmem>>, vector<68x512xf32>
    tpu.vector_store %arg14[%swap3A_67, %swap3A_68], %dot_general3A_66 {strides = array<i32>} : memref<128x512xf32, #tpu.memory_space<vmem>>, vector<68x512xf32>,
    %reduce_sum3A = arith.constant dense<0.000000e+00> : vector<68xf32>
    %reduce_sum3A_70 = vector.multi_reduction <add>, %get3A_59, %reduce_sum3A [1] : vector<68x176xf32> to vector<68xf32>
    %broadcast_in_dim3A_71 = vector.shape_cast %reduce_sum3A_70 : vector<68xf32> to vector<68x1xf32>
    %mul3A_72 = arith.mulf %get3A_59, %get3A_59 : vector<68x176xf32>
    %reduce_sum3A_73 = arith.constant dense<0.000000e+00> : vector<68xf32>
    %reduce_sum3A_74 = vector.multi_reduction <add>, %mul3A_72, %reduce_sum3A_73 [1] : vector<68x176xf32> to vector<68xf32>
    %broadcast_in_dim3A_75 = vector.shape_cast %reduce_sum3A_74 : vector<68xf32> to vector<68x1xf32>
    %broadcast_in_dim3A_76 = arith.constant 0.000000e+00 : f32
    %broadcast_in_dim3A_77 = vector.broadcast %broadcast_in_dim3A_76 : f32 to vector<128x8xf32>
    %swap3A_78 = arith.constant 0 : index
    %swap3A_79 = arith.constant 0 : index
    %swap3A_80 = vector.load %arg15[%swap3A_78, %swap3A_79] : memref<128x8xf32, #tpu.memory_space<vmem>>, vector<128x8xf32>
    tpu.vector_store %arg15[%swap3A_78, %swap3A_79], %broadcast_in_dim3A_77 {strides = array<i32>} : memref<128x8xf32, #tpu.memory_space<vmem>>, vector<128x8xf32>,
    %swap3A_81 = arith.constant 0 : index
    %swap3A_82 = arith.constant 0 : index
    %swap3A_83 = vector.load %arg15[%swap3A_81, %swap3A_82] : memref<128x8xf32, #tpu.memory_space<vmem>>, vector<68x1xf32>
    tpu.vector_store %arg15[%swap3A_81, %swap3A_82], %broadcast_in_dim3A_71 {strides = array<i32>} : memref<128x8xf32, #tpu.memory_space<vmem>>, vector<68x1xf32>,
    %swap3A_84 = arith.constant 0 : index
    %swap3A_85 = arith.constant 1 : index
    %swap3A_86 = vector.load %arg15[%swap3A_84, %swap3A_85] : memref<128x8xf32, #tpu.memory_space<vmem>>, vector<68x1xf32>
    tpu.vector_store %arg15[%swap3A_84, %swap3A_85], %broadcast_in_dim3A_75 {strides = array<i32>} : memref<128x8xf32, #tpu.memory_space<vmem>>, vector<68x1xf32>,
    %slice3A = vector.extract_strided_slice %mul3A_4 {offsets = [0, 144], sizes = [512, 32], strides = [1, 1]} : vector<512x176xf32> to vector<512x32xf32>
    %swap3A_87 = arith.constant 0 : index
    %swap3A_88 = arith.constant 0 : index
    %swap3A_89 = vector.load %arg16[%swap3A_87, %swap3A_88] : memref<512x32xf32, #tpu.memory_space<vmem>>, vector<512x32xf32>
    tpu.vector_store %arg16[%swap3A_87, %swap3A_88], %slice3A {strides = array<i32>} : memref<512x32xf32, #tpu.memory_space<vmem>>, vector<512x32xf32>,
    %broadcast_in_dim3A_90 = arith.constant 0.000000e+00 : f32
    %broadcast_in_dim3A_91 = vector.broadcast %broadcast_in_dim3A_90 : f32 to vector<32x11xf32>
    %swap3A_92 = arith.constant 0 : index
    %swap3A_93 = arith.constant 0 : index
    %swap3A_94 = vector.load %arg17[%swap3A_92, %swap3A_93] : memref<32x11xf32, #tpu.memory_space<vmem>>, vector<32x11xf32>
    tpu.vector_store %arg17[%swap3A_92, %swap3A_93], %broadcast_in_dim3A_91 {strides = array<i32>} : memref<32x11xf32, #tpu.memory_space<vmem>>, vector<32x11xf32>,
    %get3A_95 = arith.constant 0 : index
    %get3A_96 = arith.constant 0 : index
    %get3A_97 = vector.load %arg8[%get3A_95, %get3A_96] : memref<32x6xf32, #tpu.memory_space<vmem>>, vector<32x6xf32>
    %swap3A_98 = arith.constant 0 : index
    %swap3A_99 = arith.constant 5 : index
    %swap3A_100 = vector.load %arg17[%swap3A_98, %swap3A_99] : memref<32x11xf32, #tpu.memory_space<vmem>>, vector<32x6xf32>
    tpu.vector_store %arg17[%swap3A_98, %swap3A_99], %get3A_97 {strides = array<i32>} : memref<32x11xf32, #tpu.memory_space<vmem>>, vector<32x6xf32>,
    %get3A_101 = arith.constant 0 : index
    %get3A_102 = vector.load %arg9[%get3A_101] : memref<32xf32, #tpu.memory_space<vmem>>, vector<32xf32>
    %reshape3A_103 = vector.shape_cast %get3A_102 : vector<32xf32> to vector<1x32xf32>
    %swap3A_104 = arith.constant 0 : index
    %swap3A_105 = arith.constant 0 : index
    %swap3A_106 = vector.load %arg18[%swap3A_104, %swap3A_105] : memref<1x32xf32, #tpu.memory_space<vmem>>, vector<1x32xf32>
    tpu.vector_store %arg18[%swap3A_104, %swap3A_105], %reshape3A_103 {strides = array<i32>} : memref<1x32xf32, #tpu.memory_space<vmem>>, vector<1x32xf32>,
    %broadcast_in_dim3A_107 = arith.constant 1.000000e+00 : f32
    %broadcast_in_dim3A_108 = vector.broadcast %broadcast_in_dim3A_107 : f32 to vector<1x176xf32>
    %dot_general3A_109 = arith.constant dense<0.000000e+00> : vector<1x512xf32>
    %dot_general3A_110 = tpu.matmul %broadcast_in_dim3A_108, %mul3A_4, %dot_general3A_109 {dimension_numbers = #tpu.dot_dimension_numbers<[1], [1], [0], [0], [0, 0, 1, 0], [], []>, transpose_lhs_hint = false} : vector<1x176xf32>, vector<512x176xf32>, vector<1x512xf32> -> vector<1x512xf32>
    %swap3A_111 = arith.constant 0 : index
    %swap3A_112 = arith.constant 0 : index
    %swap3A_113 = vector.load %arg19[%swap3A_111, %swap3A_112] : memref<1x512xf32, #tpu.memory_space<vmem>>, vector<1x512xf32>
    tpu.vector_store %arg19[%swap3A_111, %swap3A_112], %dot_general3A_110 {strides = array<i32>} : memref<1x512xf32, #tpu.memory_space<vmem>>, vector<1x512xf32>,
    %get3A_114 = arith.constant 0 : index
    %get3A_115 = vector.load %arg11[%get3A_114] : memref<176xf32, #tpu.memory_space<vmem>>, vector<176xf32>
    %reshape3A_116 = vector.shape_cast %get3A_115 : vector<176xf32> to vector<1x176xf32>
    %get3A_117 = arith.constant 0 : index
    %get3A_118 = arith.constant 0 : index
    %get3A_119 = vector.load %arg12[%get3A_117, %get3A_118] : memref<512x176xf32, #tpu.memory_space<vmem>>, vector<512x176xf32>
    %dot_general3A_120 = arith.constant dense<0.000000e+00> : vector<1x512xf32>
    %dot_general3A_121 = tpu.matmul %reshape3A_116, %get3A_119, %dot_general3A_120 {dimension_numbers = #tpu.dot_dimension_numbers<[1], [1], [0], [0], [0, 0, 1, 0], [], []>, transpose_lhs_hint = false} : vector<1x176xf32>, vector<512x176xf32>, vector<1x512xf32> -> vector<1x512xf32>
    %get3A_122 = arith.constant 0 : index
    %get3A_123 = vector.load %arg13[%get3A_122] : memref<512xf32, #tpu.memory_space<vmem>>, vector<512xf32>
    %reshape3A_124 = vector.shape_cast %get3A_123 : vector<512xf32> to vector<1x512xf32>
    %add3A_125 = arith.addf %dot_general3A_121, %reshape3A_124 : vector<1x512xf32>
    %swap3A_126 = arith.constant 0 : index
    %swap3A_127 = arith.constant 0 : index
    %swap3A_128 = vector.load %arg20[%swap3A_126, %swap3A_127] : memref<1x512xf32, #tpu.memory_space<vmem>>, vector<1x512xf32>
    tpu.vector_store %arg20[%swap3A_126, %swap3A_127], %add3A_125 {strides = array<i32>} : memref<1x512xf32, #tpu.memory_space<vmem>>, vector<1x512xf32>,
    return
  }
}

module attributes {stable_mosaic.version = 14 : i64} {
  func.func @_body(%arg0: i32, %arg1: memref<16x50x11xf32, #tpu.memory_space<vmem>>, %arg2: memref<16x50x8xi32, #tpu.memory_space<vmem>>, %arg3: memref<2x8xi32, #tpu.memory_space<vmem>>, %arg4: memref<6x128xf32, #tpu.memory_space<vmem>>, %arg5: memref<128x512xf32, #tpu.memory_space<vmem>>, %arg6: memref<128x8xf32, #tpu.memory_space<vmem>>, %arg7: memref<512x32xf32, #tpu.memory_space<vmem>>, %arg8: memref<32x11xf32, #tpu.memory_space<vmem>>, %arg9: memref<1x32xf32, #tpu.memory_space<vmem>>, %arg10: memref<1x512xf32, #tpu.memory_space<vmem>>, %arg11: memref<1x512xf32, #tpu.memory_space<vmem>>, %arg12: memref<800x512xf32, #tpu.memory_space<vmem>>) attributes {dimension_semantics = [#tpu.dimension_semantics<arbitrary>], iteration_bounds = array<i64: 64>, scalar_prefetch = 0 : i64, scratch_operands = 0 : i64, tpu.core_type = #tpu.core_type<tc>, window_params = [{transform_indices = @transform_0, window_bounds = array<i64: 16, 50, 11>}, {transform_indices = @transform_1, window_bounds = array<i64: 16, 50, 8>}, {pipeline_mode = #tpu.pipeline_mode<synchronous>, transform_indices = @transform_2, window_bounds = array<i64: 2, 8>}, {pipeline_mode = #tpu.pipeline_mode<synchronous>, transform_indices = @transform_3, window_bounds = array<i64: 6, 128>}, {pipeline_mode = #tpu.pipeline_mode<synchronous>, transform_indices = @transform_4, window_bounds = array<i64: 128, 512>}, {pipeline_mode = #tpu.pipeline_mode<synchronous>, transform_indices = @transform_5, window_bounds = array<i64: 128, 8>}, {pipeline_mode = #tpu.pipeline_mode<synchronous>, transform_indices = @transform_6, window_bounds = array<i64: 512, 32>}, {pipeline_mode = #tpu.pipeline_mode<synchronous>, transform_indices = @transform_7, window_bounds = array<i64: 32, 11>}, {pipeline_mode = #tpu.pipeline_mode<synchronous>, transform_indices = @transform_8, window_bounds = array<i64: 1, 32>}, {pipeline_mode = #tpu.pipeline_mode<synchronous>, transform_indices = @transform_9, window_bounds = array<i64: 1, 512>}, {pipeline_mode = #tpu.pipeline_mode<synchronous>, transform_indices = @transform_10, window_bounds = array<i64: 1, 512>}, {transform_indices = @transform_11, window_bounds = array<i64: 800, 512>}]} {
    %get3A = arith.constant 0 : index
    %get3A_0 = arith.constant 0 : index
    %get3A_1 = arith.constant 0 : index
    %get3A_2 = vector.load %arg1[%get3A, %get3A_0, %get3A_1] : memref<16x50x11xf32, #tpu.memory_space<vmem>>, vector<16x50x11xf32>
    %reshape3A = vector.shape_cast %get3A_2 : vector<16x50x11xf32> to vector<800x11xf32>
    %get3A_3 = arith.constant 0 : index
    %get3A_4 = arith.constant 0 : index
    %get3A_5 = arith.constant 0 : index
    %get3A_6 = vector.load %arg2[%get3A_3, %get3A_4, %get3A_5] : memref<16x50x8xi32, #tpu.memory_space<vmem>>, vector<16x50x8xi32>
    %reshape3A_7 = vector.shape_cast %get3A_6 : vector<16x50x8xi32> to vector<800x8xi32>
    %slice3A = vector.extract_strided_slice %reshape3A {offsets = [0, 0], sizes = [800, 5], strides = [1, 1]} : vector<800x11xf32> to vector<800x5xf32>
    %convert_element_type3A = arith.fptosi %slice3A : vector<800x5xf32> to vector<800x5xi32>
    %get3A_8 = arith.constant 0 : index
    %get3A_9 = arith.constant 0 : index
    %get3A_10 = vector.load %arg3[%get3A_8, %get3A_9] : memref<2x8xi32, #tpu.memory_space<vmem>>, vector<1x5xi32>
    %get3A_11 = arith.constant 1 : index
    %get3A_12 = arith.constant 0 : index
    %get3A_13 = vector.load %arg3[%get3A_11, %get3A_12] : memref<2x8xi32, #tpu.memory_space<vmem>>, vector<1x5xi32>
    %jit3A = arith.constant 0 : i32
    %max3A = vector.broadcast %jit3A : i32 to vector<800x5xi32>
    %max3A_14 = arith.maxsi %max3A, %convert_element_type3A : vector<800x5xi32>
    %min3A = vector.broadcast %get3A_10 : vector<1x5xi32> to vector<800x5xi32>
    %min3A_15 = arith.minsi %min3A, %max3A_14 : vector<800x5xi32>
    %add3A = vector.broadcast %get3A_13 : vector<1x5xi32> to vector<800x5xi32>
    %add3A_16 = arith.addi %min3A_15, %add3A : vector<800x5xi32>
    %reduce_max3A = arith.constant dense<-2147483648> : vector<800xi32>
    %reduce_max3A_17 = vector.multi_reduction <maxsi>, %reshape3A_7, %reduce_max3A [1] : vector<800x8xi32> to vector<800xi32>
    %broadcast_in_dim3A = vector.shape_cast %reduce_max3A_17 : vector<800xi32> to vector<800x1xi32>
    %ge3A = arith.constant 1 : i32
    %ge3A_18 = vector.broadcast %ge3A : i32 to vector<800x1xi32>
    %ge3A_19 = arith.cmpi sge, %broadcast_in_dim3A, %ge3A_18 : vector<800x1xi32>
    %convert_element_type3A_20 = arith.extui %ge3A_19 : vector<800x1xi1> to vector<800x1xi32>
    %add3A_21 = arith.constant 66 : i32
    %add3A_22 = vector.broadcast %add3A_21 : i32 to vector<800x1xi32>
    %add3A_23 = arith.addi %add3A_22, %convert_element_type3A_20 : vector<800x1xi32>
    %concatenate3A = tpu.concatenate %add3A_16, %add3A_23 in 1 : vector<800x5xi32>, vector<800x1xi32> -> vector<800x6xi32>
    %convert_element_type3A_24 = arith.sitofp %concatenate3A : vector<800x6xi32> to vector<800x6xf32>
    %get3A_25 = arith.constant 0 : index
    %get3A_26 = arith.constant 0 : index
    %get3A_27 = vector.load %arg4[%get3A_25, %get3A_26] : memref<6x128xf32, #tpu.memory_space<vmem>>, vector<6x128xf32>
    %dot_general3A = arith.constant dense<0.000000e+00> : vector<800x128xf32>
    %dot_general3A_28 = tpu.matmul %convert_element_type3A_24, %get3A_27, %dot_general3A {dimension_numbers = #tpu.dot_dimension_numbers<[1], [0], [0], [1], [0, 0, 1, 1], [], []>, transpose_lhs_hint = false} : vector<800x6xf32>, vector<6x128xf32>, vector<800x128xf32> -> vector<800x128xf32>
    %iota3A = tpu.iota {dimensions = array<i32: 1>} : vector<800x128xi32>
    %convert_element_type3A_29 = arith.sitofp %iota3A : vector<800x128xi32> to vector<800x128xf32>
    %eq3A = arith.cmpf oeq, %dot_general3A_28, %convert_element_type3A_29 : vector<800x128xf32>
    %convert_element_type3A_30 = arith.extui %eq3A : vector<800x128xi1> to vector<800x128xi32>
    %convert_element_type3A_31 = arith.sitofp %convert_element_type3A_30 : vector<800x128xi32> to vector<800x128xf32>
    %get3A_32 = arith.constant 0 : index
    %get3A_33 = arith.constant 0 : index
    %get3A_34 = vector.load %arg8[%get3A_32, %get3A_33] : memref<32x11xf32, #tpu.memory_space<vmem>>, vector<32x11xf32>
    %dot_general3A_35 = arith.constant dense<0.000000e+00> : vector<800x32xf32>
    %dot_general3A_36 = tpu.matmul %reshape3A, %get3A_34, %dot_general3A_35 {dimension_numbers = #tpu.dot_dimension_numbers<[1], [1], [0], [0], [0, 0, 1, 0], [], []>, transpose_lhs_hint = false} : vector<800x11xf32>, vector<32x11xf32>, vector<800x32xf32> -> vector<800x32xf32>
    %get3A_37 = arith.constant 0 : index
    %get3A_38 = arith.constant 0 : index
    %get3A_39 = vector.load %arg9[%get3A_37, %get3A_38] : memref<1x32xf32, #tpu.memory_space<vmem>>, vector<1x32xf32>
    %add3A_40 = vector.broadcast %get3A_39 : vector<1x32xf32> to vector<800x32xf32>
    %add3A_41 = arith.addf %dot_general3A_36, %add3A_40 : vector<800x32xf32>
    %reduce_sum3A = arith.constant dense<0.000000e+00> : vector<800xf32>
    %reduce_sum3A_42 = vector.multi_reduction <add>, %add3A_41, %reduce_sum3A [1] : vector<800x32xf32> to vector<800xf32>
    %broadcast_in_dim3A_43 = vector.shape_cast %reduce_sum3A_42 : vector<800xf32> to vector<800x1xf32>
    %mul3A = arith.mulf %add3A_41, %add3A_41 : vector<800x32xf32>
    %reduce_sum3A_44 = arith.constant dense<0.000000e+00> : vector<800xf32>
    %reduce_sum3A_45 = vector.multi_reduction <add>, %mul3A, %reduce_sum3A_44 [1] : vector<800x32xf32> to vector<800xf32>
    %broadcast_in_dim3A_46 = vector.shape_cast %reduce_sum3A_45 : vector<800xf32> to vector<800x1xf32>
    %get3A_47 = arith.constant 0 : index
    %get3A_48 = arith.constant 0 : index
    %get3A_49 = vector.load %arg6[%get3A_47, %get3A_48] : memref<128x8xf32, #tpu.memory_space<vmem>>, vector<128x8xf32>
    %dot_general3A_50 = arith.constant dense<0.000000e+00> : vector<800x8xf32>
    %dot_general3A_51 = tpu.matmul %convert_element_type3A_31, %get3A_49, %dot_general3A_50 {dimension_numbers = #tpu.dot_dimension_numbers<[1], [0], [0], [1], [0, 0, 1, 1], [], []>, transpose_lhs_hint = false} : vector<800x128xf32>, vector<128x8xf32>, vector<800x8xf32> -> vector<800x8xf32>
    %slice3A_52 = vector.extract_strided_slice %dot_general3A_51 {offsets = [0, 0], sizes = [800, 1], strides = [1, 1]} : vector<800x8xf32> to vector<800x1xf32>
    %add3A_53 = arith.addf %slice3A_52, %broadcast_in_dim3A_43 : vector<800x1xf32>
    %slice3A_54 = vector.extract_strided_slice %dot_general3A_51 {offsets = [0, 1], sizes = [800, 1], strides = [1, 1]} : vector<800x8xf32> to vector<800x1xf32>
    %add3A_55 = arith.addf %slice3A_54, %broadcast_in_dim3A_46 : vector<800x1xf32>
    %mul3A_56 = arith.constant 0.00568181835 : f32
    %mul3A_57 = vector.broadcast %mul3A_56 : f32 to vector<800x1xf32>
    %mul3A_58 = arith.mulf %add3A_53, %mul3A_57 : vector<800x1xf32>
    %mul3A_59 = arith.constant 0.00568181835 : f32
    %mul3A_60 = vector.broadcast %mul3A_59 : f32 to vector<800x1xf32>
    %mul3A_61 = arith.mulf %add3A_55, %mul3A_60 : vector<800x1xf32>
    %mul3A_62 = arith.mulf %mul3A_58, %mul3A_58 : vector<800x1xf32>
    %sub3A = arith.subf %mul3A_61, %mul3A_62 : vector<800x1xf32>
    %add3A_63 = arith.constant 9.99999974E-6 : f32
    %add3A_64 = vector.broadcast %add3A_63 : f32 to vector<800x1xf32>
    %add3A_65 = arith.addf %sub3A, %add3A_64 : vector<800x1xf32>
    %rsqrt3A = math.rsqrt %add3A_65 : vector<800x1xf32>
    %get3A_66 = arith.constant 0 : index
    %get3A_67 = arith.constant 0 : index
    %get3A_68 = vector.load %arg5[%get3A_66, %get3A_67] : memref<128x512xf32, #tpu.memory_space<vmem>>, vector<128x512xf32>
    %dot_general3A_69 = arith.constant dense<0.000000e+00> : vector<800x512xf32>
    %dot_general3A_70 = tpu.matmul %convert_element_type3A_31, %get3A_68, %dot_general3A_69 {dimension_numbers = #tpu.dot_dimension_numbers<[1], [0], [0], [1], [0, 0, 1, 1], [], []>, transpose_lhs_hint = false} : vector<800x128xf32>, vector<128x512xf32>, vector<800x512xf32> -> vector<800x512xf32>
    %get3A_71 = arith.constant 0 : index
    %get3A_72 = arith.constant 0 : index
    %get3A_73 = vector.load %arg7[%get3A_71, %get3A_72] : memref<512x32xf32, #tpu.memory_space<vmem>>, vector<512x32xf32>
    %dot_general3A_74 = arith.constant dense<0.000000e+00> : vector<800x512xf32>
    %dot_general3A_75 = tpu.matmul %add3A_41, %get3A_73, %dot_general3A_74 {dimension_numbers = #tpu.dot_dimension_numbers<[1], [1], [0], [0], [0, 0, 1, 0], [], []>, transpose_lhs_hint = false} : vector<800x32xf32>, vector<512x32xf32>, vector<800x512xf32> -> vector<800x512xf32>
    %add3A_76 = arith.addf %dot_general3A_70, %dot_general3A_75 : vector<800x512xf32>
    %get3A_77 = arith.constant 0 : index
    %get3A_78 = arith.constant 0 : index
    %get3A_79 = vector.load %arg10[%get3A_77, %get3A_78] : memref<1x512xf32, #tpu.memory_space<vmem>>, vector<1x512xf32>
    %mul3A_80 = vector.broadcast %mul3A_58 : vector<800x1xf32> to vector<800x512xf32>
    %mul3A_81 = vector.broadcast %get3A_79 : vector<1x512xf32> to vector<800x512xf32>
    %mul3A_82 = arith.mulf %mul3A_80, %mul3A_81 : vector<800x512xf32>
    %sub3A_83 = arith.subf %add3A_76, %mul3A_82 : vector<800x512xf32>
    %mul3A_84 = vector.broadcast %rsqrt3A : vector<800x1xf32> to vector<800x512xf32>
    %mul3A_85 = arith.mulf %sub3A_83, %mul3A_84 : vector<800x512xf32>
    %get3A_86 = arith.constant 0 : index
    %get3A_87 = arith.constant 0 : index
    %get3A_88 = vector.load %arg11[%get3A_86, %get3A_87] : memref<1x512xf32, #tpu.memory_space<vmem>>, vector<1x512xf32>
    %add3A_89 = vector.broadcast %get3A_88 : vector<1x512xf32> to vector<800x512xf32>
    %add3A_90 = arith.addf %mul3A_85, %add3A_89 : vector<800x512xf32>
    %swap3A = arith.constant 0 : index
    %swap3A_91 = arith.constant 0 : index
    %swap3A_92 = vector.load %arg12[%swap3A, %swap3A_91] : memref<800x512xf32, #tpu.memory_space<vmem>>, vector<800x512xf32>
    tpu.vector_store %arg12[%swap3A, %swap3A_91], %add3A_90 {strides = array<i32>} : memref<800x512xf32, #tpu.memory_space<vmem>>, vector<800x512xf32>,
    return
  }
  func.func @transform_0(%arg0: i32) -> (i32, i32, i32) {
    %c0_i32 = arith.constant 0 : i32
    %c0_i32_0 = arith.constant 0 : i32
    %c0_i32_1 = arith.constant 0 : i32
    return %arg0, %c0_i32, %c0_i32_0 : i32, i32, i32
  }
  func.func @transform_1(%arg0: i32) -> (i32, i32, i32) {
    %c0_i32 = arith.constant 0 : i32
    %c0_i32_0 = arith.constant 0 : i32
    %c0_i32_1 = arith.constant 0 : i32
    return %arg0, %c0_i32, %c0_i32_0 : i32, i32, i32
  }
  func.func @transform_2(%arg0: i32) -> (i32, i32) {
    %c0_i32 = arith.constant 0 : i32
    %c0_i32_0 = arith.constant 0 : i32
    %c0_i32_1 = arith.constant 0 : i32
    return %c0_i32, %c0_i32_0 : i32, i32
  }
  func.func @transform_3(%arg0: i32) -> (i32, i32) {
    %c0_i32 = arith.constant 0 : i32
    %c0_i32_0 = arith.constant 0 : i32
    %c0_i32_1 = arith.constant 0 : i32
    return %c0_i32, %c0_i32_0 : i32, i32
  }
  func.func @transform_4(%arg0: i32) -> (i32, i32) {
    %c0_i32 = arith.constant 0 : i32
    %c0_i32_0 = arith.constant 0 : i32
    %c0_i32_1 = arith.constant 0 : i32
    return %c0_i32, %c0_i32_0 : i32, i32
  }
  func.func @transform_5(%arg0: i32) -> (i32, i32) {
    %c0_i32 = arith.constant 0 : i32
    %c0_i32_0 = arith.constant 0 : i32
    %c0_i32_1 = arith.constant 0 : i32
    return %c0_i32, %c0_i32_0 : i32, i32
  }
  func.func @transform_6(%arg0: i32) -> (i32, i32) {
    %c0_i32 = arith.constant 0 : i32
    %c0_i32_0 = arith.constant 0 : i32
    %c0_i32_1 = arith.constant 0 : i32
    return %c0_i32, %c0_i32_0 : i32, i32
  }
  func.func @transform_7(%arg0: i32) -> (i32, i32) {
    %c0_i32 = arith.constant 0 : i32
    %c0_i32_0 = arith.constant 0 : i32
    %c0_i32_1 = arith.constant 0 : i32
    return %c0_i32, %c0_i32_0 : i32, i32
  }
  func.func @transform_8(%arg0: i32) -> (i32, i32) {
    %c0_i32 = arith.constant 0 : i32
    %c0_i32_0 = arith.constant 0 : i32
    %c0_i32_1 = arith.constant 0 : i32
    return %c0_i32, %c0_i32_0 : i32, i32
  }
  func.func @transform_9(%arg0: i32) -> (i32, i32) {
    %c0_i32 = arith.constant 0 : i32
    %c0_i32_0 = arith.constant 0 : i32
    %c0_i32_1 = arith.constant 0 : i32
    return %c0_i32, %c0_i32_0 : i32, i32
  }
  func.func @transform_10(%arg0: i32) -> (i32, i32) {
    %c0_i32 = arith.constant 0 : i32
    %c0_i32_0 = arith.constant 0 : i32
    %c0_i32_1 = arith.constant 0 : i32
    return %c0_i32, %c0_i32_0 : i32, i32
  }
  func.func @transform_11(%arg0: i32) -> (i32, i32) {
    %c0_i32 = arith.constant 0 : i32
    %c0_i32_0 = arith.constant 0 : i32
    return %arg0, %c0_i32 : i32, i32
  }
}

</mosaic_0001>

<sc_bundles>
// kernel: sparse-core-data-format-call.cloned.1.call-start
scs
called_computation_lowered:
.L_overlay_start_0:
0x0: {  	s2 =	sld [smem:$0x3FD9]  }
0x1: {  	s3 =	sld [smem:$0x3FFE];
	_ =	sdelay $0x1  }
0x2: {  	s1 =	srdreg.scid  }
0x3: {  	s0 =	sand.u32 $0x1, s1  }
0x4: {  	s18 =	sshll.u32 s0, $0xA;
	s2 =	sadd.s32 s3, s2  }
0x5: {  	s2 =	sadd.s32 s2, s18  }
0x6: {  	[smem:$0x3FB8] =	sst s2  }
0x7: {  	_ = 	snop  }
0x8: {  	s2 =	sld [smem:$0x3FD0];
	(tm) =	ssettm $0x1  }
0x9: {  	s19 =	sld [smem:$0x3FFB];
	_ =	sdelay $0x3  }
0xa: {  	_ =	strace s19  }
0xb: {  	s3 =	sld [smem:$0x3FFC];
	_ =	sdelay $0x3  }
0xc: {  	_ =	strace s3  }
0xd: {  	s3 =	sld [smem:$0x3FFD];
	_ =	sdelay $0x3  }
0xe: {  	_ =	strace s3  }
0xf: {  	_ =	strace $0x8FFFFFFF  }
0x10: {  	s20 =	sld [smem:$0x3FDB];
	_ =	sdelay $0x1  }
0x11: {  	s4 =	simm.s32 $_scs_section_size  }
0x12: {  	s5 =	simm.s32 $_size__tile_overlayer_lowered;
	s6 =	simm.s32 $_tile_overlayer_lowered  }
0x13: {  	s23 =	simm.s32 $0x1BFF;
	s22 =	sshll.u32 s6, $0x1;
	s3 =	sadd.s32 s4, s20  }
0x14: {  	s7 =	simm.s32 $0x0;
	s21 =	sshll.u32 s5, $0x1;
	s5 =	sadd.s32 s22, s3  }
0x15: {  	[timem:s7], [sflag:s23] =	dma.local [hbm:s5], s21  }
0x16: {  	_ =	swait.ge [sflag:s23], s21  }
0x17: {  	s4 =	ssub.s32 $0x0, s21;
	[sflag:s23] =	ssyncset.done $0x0  }
0x18: {  	[sflag:s23] =	ssyncadd.s32 s4;
	_ =	sdelay $0x1  }
0x19: {  	s24 =	simm.s32 $0x1B8B  }
0x1a: {  	_ =	swait.ge [sflag:s24], $0x1  }
0x1b: {  	[sflag:s24] =	ssyncset.done $0x0  }
0x1c: {  	s26 =	simm.s32 $0x1B8E;
	s25 =	sld [smem:$0x3FFE];
	[sflag:s24] =	ssyncadd.s32 $0xFFFFFFFF  }
0x1d: {  	s27 =	simm.s32 $execute0_lowered;
	[smem:$0x3FD2] =	sst s26  }
0x1e: {  	s5 =	sshll.u32 s27, $0x1;
	_ =	strace $0x80000046;
	[dreg:$0x1] =	wrdreg $0xFFFFFFFF  }
0x1f: {  	s28 =	simm.s32 $_size_execute0_lowered;
	s3 =	sadd.s32 s3, s5;
	[dreg:$0x0] =	wrdreg $0x0  }
0x20: {  	s5 =	sshll.u32 s28, $0x1;
	[dreg:$0x2] =	wrdreg s3  }
0x21: {  	[dreg:$0x3] =	wrdreg s5  }
0x22: {  	[dreg:$0x4] =	wrdreg $0xC0  }
0x23: {  	_ =	task [dreg:s7], $0x5FFFF  }
0x24: {  	[dreg:$0x1] =	wrdreg $0xFFFFFFFF  }
0x25: {  	[dreg:$0x0] =	wrdreg $0x60  }
0x26: {  	[dreg:$0x2] =	wrdreg s25  }
0x27: {  	[dreg:$0x3] =	wrdreg s2  }
0x28: {  	[dreg:$0x4] =	wrdreg $0x9  }
0x29: {  	_ =	task.clear_ibuf [dreg:s7], $0x5FFFF;
	_ =	strace $0x90000046  }
0x2a: {  	s29 =	simm.s32 $0x9;
	_ =	strace $0x80000048  }
0x2b: {  	_ =	swait.ge [sflag:s29], $0x1  }
0x2c: {  	[sflag:s29] =	ssyncadd.s32 $0xFFFFFFFF  }
0x2d: {  	_ =	strace $0x90000048  }
0x2e: {  	_ =	sfence  }
0x2f: {  	s30 =	sld [smem:$0x0];
	_ =	sdelay $0x2  }
0x30: {  	s31 =	sshll.u32 s1, $0xD;
	s1 =	sshrl.u32 s1, $0x2  }
0x31: {  	s3 =	sand.u32 $0x4000, s31;
	s1 =	sadd.s32 s1, s30  }
0x32: {  	s0 =	sor.u32 s3, s0;
	s1 =	sshll.u32 s1, $0x11  }
0x33: {  	s0 =	sor.u32 s1, s0  }
0x34: {  	s0 =	sadd.s32 $0x8F2B, s0  }
0x35: {  	[sflag:s0] =	ssyncadd.remote.s32 $0x1  }
0x36: {  	_ =	sfence.sel $0xFFFF  }
0x37: {  	[dreg:$0x0] =	wrdreg $0xFFFFFFFF;
	(pc) =	sbr.abs _section_cstart, $3  }
0x38: {  	[dreg:$0x1] =	wrdreg $0xFFFFFFFF  }
0x39: {  	_ =	task.clear_ibuf [dreg:s7], $0x2FFFF;
	_ =	strace $0x9FFFFFFF  }
0x3a: {  	(tm) =	ssettm $0x7FFFFFFF  }
0x3b: {  	_ =	shalt  }
tec
execute0_lowered:
.L_overlay_start_1:
0x0: {  	(tag) =	ssettag $0x1  }
0x1: {  	s0 =	srdreg.scid  }
0x2: {  	s1 =	sshll.u32 s0, $0x4  }
0x3: {  	s8 =	rddreg [dreg:$0x0];
	s0 =	stileid.u32;
	s1 =	sand.u32 $0x10, s1  }
0x4: {  	s3 =	rddreg [dreg:$0x1];
	s29 =	sshll.u32 s0, $0x7;
	s7 =	sor.u32 s0, s1  }
0x5: {  	s30 =	simm.s32 $0x2;
	s1 =	sand.u32 $0x380, s29;
	s2 =	sshll.u32 s7, $0x4  }
0x6: {  	s18 =	simm.s32 $0x0;
	s4 =	ssub.s32 $0x400, s1;
	s2 =	sand.u32 $0x180, s2  }
0x7: {  	s11 =	simm.s32 $0x1000;
	s5 =	sand.u32 $0x380, s4;
	s6 =	ssub.s32 $0x200, s2  }
0x8: {  	p0 =	sne.s32 s5, $0x0;
	s5 =	simm.s32 $0x1;
	s9 =	sand.u32 $0x180, s6  }
0x9: {  	s5 =	simm.s32 @!p0 $0x0;
	p0 =	sne.s32 s9, $0x0;
	s9 =	simm.s32 $0x1  }
0xa: {  	s10 =	sshrl.u32 s4, $0xA;
	s6 =	sshrl.u32 s6, $0x9;
	s9 =	simm.s32 @!p0 $0x0  }
0xb: {  	s12 =	simm.s32 $0x0;
	s10 =	sadd.s32 s5, s10;
	s6 =	sadd.s32 s9, s6  }
0xc: {  	s16 =	simm.s32 $0x0;
	s17 =	simm.s32 $0x0;
	s6 =	smul.u32 s6, s10  }
.Ltmp0:
0xd: {  	s13 =	simm.s32 $0x0;
	s15 =	simm.s32 $0x0;
	(pc) =	sbr.rel .LBB1_1-.Ltmp0, $4  }
0xe: {  	s31 =	sshll.u32 s7, $0x7;
	s7 =	sadd.s32 $0x2400, s8;
	s4 =	rddreg [dreg:$0x2]  }
0xf: {  	_ =	strace $0x80000047;
	s5 =	simm.s32 $0x1;
	s6 =	smul.u32 $0x32, s6  }
0x10: {  	s14 =	smov.u32 s1;
	s8 =	sand.u32 $0xC00, s31;
	[sflag:s5] =	ssyncpa.u1 $0x0  }
0x11: {  	[sflag:s30] =	ssyncpa.u1 $0x0;
	s10 =	simm.s32 $0x400;
	s9 =	sor.u32 $0x1, s6  }
.LBB1_4:
0x12: {  	_ =	sdelay $0x3  }
0x13: {  	[tilespmem:v0+s21+$0xFFFFFFD0 ss:$0x1] =	vst.idx.msk $0xffff, v6  }
0x14: {  	v56 =	vld.idx.msk [tilespmem:v1+s20+$0x0 ss:$0x1], $0xffff;
	[tilespmem:v0+s21+$0xFFFFFFE0 ss:$0x1] =	vst.idx.msk $0xffff, v4  }
0x15: {  	v57 =	vld.idx.msk [tilespmem:v1+s20+$0xFFFFFF90 ss:$0x1], $0xffff;
	[tilespmem:v0+s21+$0xFFFFFFF0 ss:$0x1] =	vst.idx.msk $0xffff, v2  }
0x16: {  	v58 =	vld.idx.msk [tilespmem:v1+s20+$0xFFFFFFA0 ss:$0x1], $0xffff;
	[tilespmem:v0+s21+$0x0 ss:$0x1] =	vst.idx.msk $0xffff, v3  }
0x17: {  	v59 =	vld.idx.msk [tilespmem:v1+s20+$0xFFFFFFB0 ss:$0x1], $0xffff;
	[tilespmem:v0+s21+$0x10 ss:$0x1] =	vst.idx.msk $0xffff, v5  }
0x18: {  	v60 =	vld.idx.msk [tilespmem:v1+s20+$0xFFFFFFC0 ss:$0x1], $0xffff;
	[tilespmem:v0+s21+$0x20 ss:$0x1] =	vst.idx.msk $0xffff, v7  }
0x19: {  	v61 =	vld.idx.msk [tilespmem:v1+s20+$0xFFFFFFD0 ss:$0x1], $0xffff;
	[tilespmem:v0+s20+$0x30 ss:$0x1] =	vst.idx.msk $0xffff, v56  }
0x1a: {  	v62 =	vld.idx.msk [tilespmem:v1+s20+$0xFFFFFFE0 ss:$0x1], $0xffff;
	s29 =	sshll.u32 s17, $0x9;
	[tilespmem:v0+s20+$0xFFFFFFC0 ss:$0x1] =	vst.idx.msk $0xffff, v57  }
0x1b: {  	v63 =	vld.idx.msk [tilespmem:v1+s20+$0xFFFFFFF0 ss:$0x1], $0xffff;
	s18 =	sshll.u32 s18, $0x3;
	s22 =	sshll.u32 s17, $0x7;
	s21 =	sand.u32 $0x7F000, s29;
	[tilespmem:v0+s20+$0xFFFFFFD0 ss:$0x1] =	vst.idx.msk $0xffff, v58  }
0x1c: {  	s30 =	sand.u32 $0x200, s22;
	s18 =	sor.u32 s21, s18;
	[tilespmem:v0+s20+$0xFFFFFFE0 ss:$0x1] =	vst.idx.msk $0xffff, v59  }
0x1d: {  	s16 =	sshll.u32 s16, $0x10;
	s31 =	sshll.u32 s17, $0x4;
	s18 =	sor.u32 s30, s18;
	[tilespmem:v0+s20+$0xFFFFFFF0 ss:$0x1] =	vst.idx.msk $0xffff, v60  }
0x1e: {  	s17 =	sand.u32 $0x30, s31;
	s16 =	sadd.s32 s3, s16;
	s18 =	sshrl.u32 s18, $0x3;
	[tilespmem:v0+s20+$0x0 ss:$0x1] =	vst.idx.msk $0xffff, v61  }
0x1f: {  	s16 =	sadd.s32 s17, s16;
	[tilespmem:v0+s20+$0x10 ss:$0x1] =	vst.idx.msk $0xffff, v62;
	s18 =	sand.u32 $0xFFC0, s18  }
0x20: {  	[tilespmem:v0+s20+$0x20 ss:$0x1] =	vst.idx.msk $0xffff, v63;
	s16 =	sadd.s32 s18, s16  }
0x21: {  	[hbm4b:s16+s10] =	stream.strided.scatter [tilespmem:s19], [sflag:$0x2], $0x4000, s11, s10, $0x38;
	[tilespmem:$0x10000] =	vst v63  }
.LBB1_5:
0x22: {  	s19 =	sadd.s32 $0x1, s13  }
0x23: {  	s16 =	sadd.s32 $0x400, s14;
	s20 =	smov.u32 s14;
	p1 =	sgt.s32 s19, $0x31  }
0x24: {  	s20 =	smov.u32 @p1 s16  }
0x25: {  	s19 =	simm.s32 @p1 $0x0;
	p1 =	sgt.s32 s20, $0x3FF  }
0x26: {  	s20 =	smov.u32 @p1 s1;
	p1 =	sne.s32 s15, s9  }
.Ltmp1:
0x27: {  	p0 =	slt.u32 s15, $0x2;
	(pc) =	sbr.rel @!p1 .LBB1_6-.Ltmp1, $4  }
0x28: {  	s17 =	smov.u32 s14;
	s18 =	simm.s32 @!p0 $0x2  }
0x29: {  	s12 =	sadd.s32 $0x4000, s12;
	_ =	swait.ge @!p0 [sflag:s18], $0x4000;
	s16 =	smov.u32 s13  }
0x2a: {  	[sflag:s18] =	ssyncset.done @!p0 $0x0;
	s13 =	smov.u32 s19;
	s15 =	sadd.s32 $0x1, s15  }
0x2b: {  	[sflag:s18] =	ssyncadd.s32 @!p0 $0xFFFFC000;
	s18 =	smov.u32 s2;
	s14 =	smov.u32 s20  }
.LBB1_1:
0x2c: {  	p0 =	sge.u32 s15, s6  }
0x2d: {  	s19 =	sshll.u32 @!p0 s13, $0x9  }
0x2e: {  	s20 =	sshll.u32 @!p0 s13, $0x7;
	s19 =	sand.u32 @!p0 $0xFFFFF000, s19  }
0x2f: {  	s20 =	sand.u32 @!p0 $0x200, s20;
	s19 =	sor.u32 @!p0 s8, s19  }
0x30: {  	s19 =	sor.u32 @!p0 s20, s19  }
0x31: {  	s19 =	sshrl.u32 @!p0 s19, $0x9  }
0x32: {  	s20 =	smulhi.u32 @!p0 $0x4924925, s19;
	_ =	sdelay $0x1  }
0x33: {  	s20 =	smul.u32 @!p0 $0x38, s20  }
0x34: {  	s31 =	sadd.s32 $0xFFFFFFFF, s15;
	s21 =	smul.u32 @!p0 $0xE00, s14  }
0x35: {  	s22 =	sxor.u32 @!p0 $0xFFFFFFFF, s15;
	s19 =	ssub.s32 @!p0 s19, s20;
	s20 =	sshll.u32 @!p0 s13, $0x4  }
0x36: {  	s22 =	sshll.u32 @!p0 s22, $0xE;
	s21 =	sadd.s32 @!p0 s7, s21;
	s20 =	sand.u32 @!p0 $0x30, s20  }
0x37: {  	s22 =	sand.u32 @!p0 $0x4000, s22;
	s19 =	sshll.u32 @!p0 s19, $0x6;
	s20 =	sadd.s32 @!p0 s20, s21  }
0x38: {  	s21 =	simm.s32 @!p0 $0x7000;
	s19 =	sadd.s32 @!p0 s19, s20;
	s20 =	simm.s32 @!p0 $0x80  }
0x39: {  	[tilespmem:s22], [sflag:$0x1] =	stream.strided.gather @!p0 [hbm4b:s19+s20], $0x4000, s21, s20, $0x38;
	[tilespmem:$0x10000] =	vst v63  }
0x3a: {  	p0 =	sge.u32 s31, s6  }
.Ltmp2:
0x3b: {  	_ = 	snop;
	(pc) =	sbr.rel @p0 .LBB1_5-.Ltmp2, $1  }
0x3c: {  	_ =	sdelay $0x3  }
0x3d: {  	s19 =	sand.u32 $0x4000, s12  }
0x3e: {  	s20 =	sor.u32 $0x70, s19  }
0x3f: {  	v1 =	vmov s20;
	_ =	sdelay $0x1  }
0x40: {  	_ =	swait.ge [sflag:s5], $0x4000  }
0x41: {  	[sflag:s5] =	ssyncset.done $0x0  }
0x42: {  	s21 =	simm.s32 $0x0;
	[sflag:s5] =	ssyncadd.s32 $0xFFFFC000  }
0x43: {  	s19 =	sor.u32 $0x8040, s19;
	v7 =	vld.idx.msk [tilespmem:v1+s21+$0x0 ss:$0x1], $0xffff  }
0x44: {  	v0 =	vmov s19;
	v8 =	vld.idx.msk [tilespmem:v1+s21+$0xFFFFFF90 ss:$0x1], $0xffff  }
0x45: {  	v6 =	vld.idx.msk [tilespmem:v1+s21+$0xFFFFFFA0 ss:$0x1], $0xffff  }
0x46: {  	v4 =	vld.idx.msk [tilespmem:v1+s21+$0xFFFFFFB0 ss:$0x1], $0xffff  }
0x47: {  	v2 =	vld.idx.msk [tilespmem:v1+s21+$0xFFFFFFC0 ss:$0x1], $0xffff  }
0x48: {  	s31 =	sshll.u32 s15, $0xE;
	v3 =	vld.idx.msk [tilespmem:v1+s21+$0xFFFFFFD0 ss:$0x1], $0xffff  }
0x49: {  	s19 =	sand.u32 $0x4000, s31;
	v5 =	vld.idx.msk [tilespmem:v1+s21+$0xFFFFFFE0 ss:$0x1], $0xffff;
	[tilespmem:v0+s21+$0x30 ss:$0x1] =	vst.idx.msk $0xffff, v7  }
0x4a: {  	s22 =	simm.s32 $0x400;
	s20 =	simm.s32 $0x80;
	s19 =	sor.u32 $0x8000, s19;
	[tilespmem:v0+s21+$0xFFFFFFC0 ss:$0x1] =	vst.idx.msk $0xffff, v8;
	v7 =	vld.idx.msk [tilespmem:v1+s21+$0xFFFFFFF0 ss:$0x1], $0xffff  }
.LBB1_3:
0x4b: {  	p0 =	sne.s32 s22, $0xFE00;
	v8 =	vld.idx.msk [tilespmem:v1+s20+$0x0 ss:$0x1], $0xffff;
	[tilespmem:v0+s21+$0xFFFFFFD0 ss:$0x1] =	vst.idx.msk $0xffff, v6  }
0x4c: {  	v9 =	vld.idx.msk [tilespmem:v1+s20+$0xFFFFFF90 ss:$0x1], $0xffff;
	[tilespmem:v0+s21+$0xFFFFFFE0 ss:$0x1] =	vst.idx.msk $0xffff, v4  }
0x4d: {  	v6 =	vld.idx.msk [tilespmem:v1+s20+$0xFFFFFFA0 ss:$0x1], $0xffff;
	[tilespmem:v0+s21+$0xFFFFFFF0 ss:$0x1] =	vst.idx.msk $0xffff, v2  }
.Ltmp3:
0x4e: {  	v4 =	vld.idx.msk [tilespmem:v1+s20+$0xFFFFFFB0 ss:$0x1], $0xffff;
	[tilespmem:v0+s21+$0x0 ss:$0x1] =	vst.idx.msk $0xffff, v3;
	(pc) =	sbr.rel @p0 .LBB1_3-.Ltmp3, $4  }
0x4f: {  	v2 =	vld.idx.msk [tilespmem:v1+s20+$0xFFFFFFC0 ss:$0x1], $0xffff;
	[tilespmem:v0+s21+$0x10 ss:$0x1] =	vst.idx.msk $0xffff, v5  }
0x50: {  	v3 =	vld.idx.msk [tilespmem:v1+s20+$0xFFFFFFD0 ss:$0x1], $0xffff;
	[tilespmem:v0+s21+$0x20 ss:$0x1] =	vst.idx.msk $0xffff, v7;
	s21 =	smov.u32 s20  }
0x51: {  	v5 =	vld.idx.msk [tilespmem:v1+s21+$0xFFFFFFE0 ss:$0x1], $0xffff;
	[tilespmem:v0+s21+$0x30 ss:$0x1] =	vst.idx.msk $0xffff, v8  }
0x52: {  	s20 =	sshra.s32 s22, $0x2;
	s22 =	sadd.s32 $0x200, s22;
	[tilespmem:v0+s21+$0xFFFFFFC0 ss:$0x1] =	vst.idx.msk $0xffff, v9;
	v7 =	vld.idx.msk [tilespmem:v1+s21+$0xFFFFFFF0 ss:$0x1], $0xffff  }
.Ltmp4:
0x53: {  	_ = 	snop;
	(pc) =	sbr.rel .LBB1_4-.Ltmp4, $1  }
0x54: {  	_ =	sdelay $0x3  }
.LBB1_6:
0x55: {  	_ =	sfence.sel $0x180000  }
0x56: {  	s1 =	simm.s32 $0x1;
	[bflag:$0x0] =	sbarrier.arrive $0xFFFF  }
0x57: {  	s31 =	simm.s32 $0x2;
	[sflag:s1] =	ssyncpa.u1 $0x1  }
0x58: {  	[sflag:s31] =	ssyncpa.u1 $0x1  }
0x59: {  	p0 =	sne.s32 s0, $0x0;
	_ =	strace $0x90000047  }
0x5a: {  	s0 =	sadd.s32 @!p0 $0x100000, s4;
	[bflag:$0x2] =	sbarrier.arrive $0xFFFF  }
0x5b: {  	[sflag:s0] =	ssyncadd.tile.s32 @!p0 $0x1;
	_ =	shalt  }
.Lfunc_end1:
_tile_overlayer_lowered:
.L_overlay_start_2:
0x5c: {  	(tag) =	ssettag $0x2  }
0x5d: {  	s0 =	rddreg [dreg:$0x0];
	s2 =	stileid.u32  }
0x5e: {  	s1 =	rddreg [dreg:$0x1];
	p0 =	sne.s32 s2, $0x0  }
0x5f: {  	s3 =	rddreg [dreg:$0x2];
	[bflag:$0x3] =	sbarrier.arrive $0xFFFF;
	s2 =	simm.s32 @!p0 $0x1C01  }
0x60: {  	[timem:s3], [sflag:s2] =	dma.local @!p0 [hbm:s0], s1  }
0x61: {  	s0 =	simm.s32 @!p0 $0x1  }
0x62: {  	_ =	swait.ge @!p0 [sflag:s0], s1  }
0x63: {  	s1 =	ssub.s32 @!p0 $0x0, s1;
	[sflag:s0] =	ssyncset.done @!p0 $0x0  }
0x64: {  	[sflag:s0] =	ssyncadd.s32 @!p0 s1  }
0x65: {  	[bflag:$0x3] =	sbarrier.arrive $0xFFFF  }
0x66: {  	_ =	shalt  }

</sc_bundles>
